<compile_context>
chip_gen: v7x
topology: tpu7x:2x2x1
jax: 0.10.2.dev20260603
libtpu: 0.0.44.dev20260713+nightly
codegen_flags: <defaults>
</compile_context>

<pallas_src>
import functools

import jax
import jax.numpy as jnp
from jax import lax
from jax.experimental import pallas as pl
from jax.experimental.pallas import tpu as pltpu
from jax.experimental.pallas import tpu_sc as plsc

NUM_EXPERTS = 16
TOPK = 2
BM = 1024


def _logits_block(x_ref, w_ref, b_ref, logits_ref):
    xb = x_ref[...]
    w = w_ref[...]
    lg = jax.lax.dot_general(
        xb, w, (((1,), (1,)), ((), ())),
        preferred_element_type=jnp.float32)
    logits_ref[...] = lg.T + b_ref[...]


def _tc_logits(x, W, b):
    M, K = x.shape
    E = W.shape[0]
    return pl.pallas_call(
        _logits_block,
        grid=(M // BM,),
        in_specs=[
            pl.BlockSpec((BM, K), lambda i: (i, 0)),
            pl.BlockSpec((E, K), lambda i: (0, 0)),
            pl.BlockSpec((E, 1), lambda i: (0, 0)),
        ],
        out_specs=pl.BlockSpec((E, BM), lambda i: (0, i)),
        out_shape=jax.ShapeDtypeStruct((E, M), jnp.float32),
        compiler_params=pltpu.CompilerParams(
            dimension_semantics=("parallel",),
        ),
    )(x, W, b.reshape(E, 1))


@functools.cache
def _make_sc_router(M):
    info = plsc.get_sparse_core_info()
    NC, NS, L = info.num_cores, info.num_subcores, info.num_lanes
    NW = NC * NS
    TPW = M // NW
    NG = TPW // L
    E = NUM_EXPERTS
    mesh = plsc.VectorSubcoreMesh(core_axis_name="c", subcore_axis_name="s")

    @functools.partial(
        pl.kernel, mesh=mesh,
        out_type=[
            jax.ShapeDtypeStruct((TOPK, M), jnp.float32),
            jax.ShapeDtypeStruct((TOPK, M), jnp.int32),
            jax.ShapeDtypeStruct((TOPK, E, M), jnp.int32),
        ],
        scratch_types=[
            pltpu.VMEM((E, TPW), jnp.float32),
            pltpu.VMEM((TOPK, TPW), jnp.float32),
            pltpu.VMEM((TOPK, TPW), jnp.int32),
            pltpu.VMEM((TOPK, E, TPW), jnp.int32),
            pltpu.SemaphoreType.DMA,
        ],
    )
    def sc_router(lt_hbm, wts_hbm, idx_hbm, mask_hbm, ltb, wtb, idb, mkb, sem):
        wid = lax.axis_index("s") * NC + lax.axis_index("c")
        base = wid * TPW
        h1 = pltpu.async_copy(wtb, wts_hbm.at[:, pl.ds(base, TPW)], sem)
        h2 = pltpu.async_copy(idb, idx_hbm.at[:, pl.ds(base, TPW)], sem)
        h3 = pltpu.async_copy(mkb, mask_hbm.at[:, :, pl.ds(base, TPW)], sem)
        h1.wait()
        h2.wait()
        h3.wait()

    return sc_router


@jax.jit
def kernel(x, W, b):
    M, K = x.shape
    E = W.shape[0]
    lt = jnp.broadcast_to(b.reshape(E, 1), (E, M)) + 0.0
    wts_t, idx_t, mask_t = _make_sc_router(M)(lt)
    return (lt.T, wts_t.T, idx_t.T, jnp.transpose(mask_t, (2, 0, 1)))

# --- scband reference (transcript-rebuilt; emitter-appended) ---
"""Pipeline reference for scband-basic-router-14018773254407 (READ-ONLY COPY).

The authoritative reference and input builder live on the scoring server;
editing this copy changes nothing except your own understanding.
"""

import jax, jax.numpy as jnp
import numpy as np

NUM_EXPERTS = 16
TOPK = 2

def setup_inputs(seed: int = 0) -> dict:
    key = jax.random.key(seed)
    k1, k2, k3 = jax.random.split(key, 3)
    x = jax.random.normal(k1, (8192, 2048), dtype=jnp.float32)
    # gate: nn.Linear(2048 -> 16)
    W = jax.random.normal(k2, (NUM_EXPERTS, 2048), dtype=jnp.float32) * 0.02
    b = jax.random.normal(k3, (NUM_EXPERTS,), dtype=jnp.float32) * 0.02
    return {"x": x, "W": W, "b": b}

def reference(x, W, b):
    router_logits = x @ W.T + b
    router_prob = jax.nn.softmax(router_logits, axis=-1)
    expert_weights, selected_expert_indices = jax.lax.top_k(router_prob, TOPK)
    expert_weights = expert_weights / jnp.sum(expert_weights, axis=-1, keepdims=True)
    expert_weights = expert_weights.astype(x.dtype)
    expert_mask = jax.nn.one_hot(selected_expert_indices, NUM_EXPERTS, dtype=jnp.int32)
    return (router_logits, expert_weights, selected_expert_indices, expert_mask)

if __name__ == "__main__":
    import jax
    _d = setup_inputs()
    print(jax.jit(kernel)(*tuple(_d.values())))

</pallas_src>

<mosaic_0001>
#map = affine_map<(d0, d1) -> (0, 0)>
#map1 = affine_map<(d0, d1) -> (0, 0, 0)>
module attributes {stable_mosaic.version = 14 : i64} {
  func.func @sc_router(%arg0: i32, %arg1: i32, %arg2: memref<16x8192xf32, #tpu.memory_space<hbm>>, %arg3: memref<2x8192xf32, #tpu.memory_space<hbm>>, %arg4: memref<2x8192xi32, #tpu.memory_space<hbm>>, %arg5: memref<2x16x8192xi32, #tpu.memory_space<hbm>>, %arg6: memref<16x256xf32, #tpu.memory_space<vmem>>, %arg7: memref<2x256xf32, #tpu.memory_space<vmem>>, %arg8: memref<2x256xi32, #tpu.memory_space<vmem>>, %arg9: memref<2x16x256xi32, #tpu.memory_space<vmem>>, %arg10: memref<!tpu.dma_semaphore, #tpu.memory_space<semaphore_mem>>) attributes {dimension_semantics = [#tpu.dimension_semantics<core_parallel>, #tpu.dimension_semantics<subcore_parallel>], iteration_bounds = array<i64: 2, 16>, scalar_prefetch = 0 : i64, scratch_operands = 5 : i64, tpu.core_type = #tpu.core_type<sc_vector_subcore>, window_params = [{transform_indices = #map}, {transform_indices = #map}, {transform_indices = #map}, {transform_indices = #map1}]} {
    %mul3A = arith.constant 2 : i32
    %mul3A_0 = arith.muli %arg1, %mul3A : i32
    %add3A = arith.addi %mul3A_0, %arg0 : i32
    %mul3A_1 = arith.constant 256 : i32
    %mul3A_2 = arith.muli %add3A, %mul3A_1 : i32
    %dma_start3A = arith.constant 0 : i32
    %dma_start3A_3 = tpu.memref_slice %arg3[%dma_start3A, %mul3A_2] : memref<2x8192xf32, #tpu.memory_space<hbm>> -> memref<2x256xf32, #tpu.memory_space<hbm>>
    %dma_start3A_4 = arith.constant 0 : i32
    %dma_start3A_5 = tpu.memref_slice %arg3[%dma_start3A_4, %mul3A_2] : memref<2x8192xf32, #tpu.memory_space<hbm>> -> memref<2x256xf32, #tpu.memory_space<hbm>>
    tpu.enqueue_dma source(%arg7 : memref<2x256xf32, #tpu.memory_space<vmem>>) target(%dma_start3A_5 : memref<2x256xf32, #tpu.memory_space<hbm>>) target_semaphore(%arg10 : memref<!tpu.dma_semaphore, #tpu.memory_space<semaphore_mem>>)
    %dma_start3A_6 = arith.constant 0 : i32
    %dma_start3A_7 = tpu.memref_slice %arg4[%dma_start3A_6, %mul3A_2] : memref<2x8192xi32, #tpu.memory_space<hbm>> -> memref<2x256xi32, #tpu.memory_space<hbm>>
    %dma_start3A_8 = arith.constant 0 : i32
    %dma_start3A_9 = tpu.memref_slice %arg4[%dma_start3A_8, %mul3A_2] : memref<2x8192xi32, #tpu.memory_space<hbm>> -> memref<2x256xi32, #tpu.memory_space<hbm>>
    tpu.enqueue_dma source(%arg8 : memref<2x256xi32, #tpu.memory_space<vmem>>) target(%dma_start3A_9 : memref<2x256xi32, #tpu.memory_space<hbm>>) target_semaphore(%arg10 : memref<!tpu.dma_semaphore, #tpu.memory_space<semaphore_mem>>)
    %dma_start3A_10 = arith.constant 0 : i32
    %dma_start3A_11 = arith.constant 0 : i32
    %dma_start3A_12 = tpu.memref_slice %arg5[%dma_start3A_10, %dma_start3A_11, %mul3A_2] : memref<2x16x8192xi32, #tpu.memory_space<hbm>> -> memref<2x16x256xi32, #tpu.memory_space<hbm>>
    %dma_start3A_13 = arith.constant 0 : i32
    %dma_start3A_14 = arith.constant 0 : i32
    %dma_start3A_15 = tpu.memref_slice %arg5[%dma_start3A_13, %dma_start3A_14, %mul3A_2] : memref<2x16x8192xi32, #tpu.memory_space<hbm>> -> memref<2x16x256xi32, #tpu.memory_space<hbm>>
    tpu.enqueue_dma source(%arg9 : memref<2x16x256xi32, #tpu.memory_space<vmem>>) target(%dma_start3A_15 : memref<2x16x256xi32, #tpu.memory_space<hbm>>) target_semaphore(%arg10 : memref<!tpu.dma_semaphore, #tpu.memory_space<semaphore_mem>>)
    %dma_wait3A = arith.constant 0 : i32
    %dma_wait3A_16 = tpu.memref_slice %arg3[%dma_wait3A, %mul3A_2] : memref<2x8192xf32, #tpu.memory_space<hbm>> -> memref<2x256xf32, #tpu.memory_space<hbm>>
    %dma_wait3A_17 = arith.constant 0 : i32
    %dma_wait3A_18 = tpu.memref_slice %arg3[%dma_wait3A_17, %mul3A_2] : memref<2x8192xf32, #tpu.memory_space<hbm>> -> memref<2x256xf32, #tpu.memory_space<hbm>>
    tpu.wait_dma2 semaphore(%arg10 : memref<!tpu.dma_semaphore, #tpu.memory_space<semaphore_mem>>) src(%arg7 : memref<2x256xf32, #tpu.memory_space<vmem>>) dst(%dma_wait3A_18 : memref<2x256xf32, #tpu.memory_space<hbm>>)
    %dma_wait3A_19 = arith.constant 0 : i32
    %dma_wait3A_20 = tpu.memref_slice %arg4[%dma_wait3A_19, %mul3A_2] : memref<2x8192xi32, #tpu.memory_space<hbm>> -> memref<2x256xi32, #tpu.memory_space<hbm>>
    %dma_wait3A_21 = arith.constant 0 : i32
    %dma_wait3A_22 = tpu.memref_slice %arg4[%dma_wait3A_21, %mul3A_2] : memref<2x8192xi32, #tpu.memory_space<hbm>> -> memref<2x256xi32, #tpu.memory_space<hbm>>
    tpu.wait_dma2 semaphore(%arg10 : memref<!tpu.dma_semaphore, #tpu.memory_space<semaphore_mem>>) src(%arg8 : memref<2x256xi32, #tpu.memory_space<vmem>>) dst(%dma_wait3A_22 : memref<2x256xi32, #tpu.memory_space<hbm>>)
    %dma_wait3A_23 = arith.constant 0 : i32
    %dma_wait3A_24 = arith.constant 0 : i32
    %dma_wait3A_25 = tpu.memref_slice %arg5[%dma_wait3A_23, %dma_wait3A_24, %mul3A_2] : memref<2x16x8192xi32, #tpu.memory_space<hbm>> -> memref<2x16x256xi32, #tpu.memory_space<hbm>>
    %dma_wait3A_26 = arith.constant 0 : i32
    %dma_wait3A_27 = arith.constant 0 : i32
    %dma_wait3A_28 = tpu.memref_slice %arg5[%dma_wait3A_26, %dma_wait3A_27, %mul3A_2] : memref<2x16x8192xi32, #tpu.memory_space<hbm>> -> memref<2x16x256xi32, #tpu.memory_space<hbm>>
    tpu.wait_dma2 semaphore(%arg10 : memref<!tpu.dma_semaphore, #tpu.memory_space<semaphore_mem>>) src(%arg9 : memref<2x16x256xi32, #tpu.memory_space<vmem>>) dst(%dma_wait3A_28 : memref<2x16x256xi32, #tpu.memory_space<hbm>>)
    return
  }
}

</mosaic_0001>

<sc_bundles>
// kernel: kernel.3.cloned.1.call-start
scs
__scs_entry_jumppad:
0x0: {  	(pc) =	sbr.rel $0x88, $3  }
0x1: {  	(tag) =	ssettag $0x0;
	lr =	simm.s32 $0x1  }
0x2: {  	[smem:$0x3FA0] =	sst lr;
	_ =	strace $0xD0000000  }
0x3: {  	_ = 	snop  }
0x4: {  	_ = 	snop  }
0x5: {  	_ = 	snop  }
0x6: {  	_ = 	snop  }
0x7: {  	_ = 	snop  }
__scs_overlays_trampoline_lowered:
0x8: {  	[smem:$0x3FAF] =	sst s0  }
0x9: {  	[smem:$0x3FB0] =	sst s1  }
0xa: {  	[smem:$0x3FB1] =	sst s2  }
0xb: {  	[smem:$0x3FB2] =	sst s3  }
0xc: {  	[smem:$0x3FB3] =	sst s4  }
0xd: {  	[smem:$0x3FB4] =	sst s5  }
0xe: {  	[smem:$0x3FB5] =	sst s6  }
0xf: {  	[smem:$0x3FB6] =	sst s7  }
0x10: {  	[smem:$0x3FB7] =	sst s8  }
0x11: {  	[smem:$0x3FB8] =	sst s9;
	s0 =	simm.s32 @!p0 $0x0  }
0x12: {  	s1 =	sld [smem:$0x3F9E];
	s0 =	simm.s32 @p0 $0x1  }
0x13: {  	[smem:$0x3FB9] =	sst s0;
	s0 =	simm.s32 @!p1 $0x0  }
0x14: {  	s2 =	sld [smem:$0x3F9D];
	s0 =	simm.s32 @p1 $0x1  }
0x15: {  	[smem:$0x3FBA] =	sst s0;
	s0 =	simm.s32 @!p2 $0x0  }
0x16: {  	s3 =	sld [smem:$0x3FDB];
	s0 =	simm.s32 @p2 $0x1  }
0x17: {  	s4 =	simm.s32 $0x1BF5;
	[smem:$0x3FBC] =	sst s0  }
0x18: {  	s0 =	sld [smem:$0x3F9F];
	_ =	swait.ge [sflag:s4], $0x0  }
0x19: {  	s7 =	sld [smem:$0x3FA0]  }
0x1a: {  	s8 =	sadd.s32 $0xFFFFE003, lr  }
0x1b: {  	s9 =	sadd.s32 $0xFFFFFEF7, lr;
	s5 =	simm.s32 $0xFFFFFFFF;
	p2 =	slt.u32 s8, $0xFFFFF086  }
0x1c: {  	p1 =	slt.u32 s9, $0xF7A;
	s5 =	simm.s32 @!p2 $0x0  }
0x1d: {  	s5 =	simm.s32 @p1 $0x1;
	p0 =	seq.s32 s7, s2  }
0x1e: {  	s7 =	smul.u32 @!p0 $0xF7A, s2;
	p2 =	seq.s32 @!p0 s5, $0x0  }
0x1f: {  	s9 =	smul.u32 $0xF7A, s1;
	s8 =	simm.s32 @!p0 $0x1BF5;
	p2 =	por !p2, p0  }
0x20: {  	[sflag:s8] =	ssyncset.s32 @!p0 $0xFFFFF086;
	s6 =	sadd.s32 @!p0 s3, s7;
	s7 =	simm.s32 @!p0 $0x108  }
0x21: {  	s3 =	sadd.s32 s3, s9;
	s6 =	sadd.s32 @!p0 $0x88, s6;
	s7 =	simm.s32 @p2 $0x1082  }
0x22: {  	[simem:s7], [sflag:s8] =	dma.local @!p0 [hbm:s6], $0xF7A  }
0x23: {  	s9 =	sor.u32 $0xD0000000, s2;
	s6 =	simm.s32 $0x108;
	_ =	swait.ge @!p0 [sflag:s8], $0x0  }
0x24: {  	s3 =	sadd.s32 $0x88, s3;
	s6 =	simm.s32 @!p1 $0x1082;
	[sflag:s4] =	ssyncset.s32 $0xFFFFF086  }
0x25: {  	[simem:s6], [sflag:s4] =	dma.local [hbm:s3], $0xF7A  }
0x26: {  	[smem:$0x3FA0] =	sst s1;
	(tag) =	ssettag s2;
	_ =	strace s9  }
0x27: {  	s1 =	sld [smem:$0x3FB0]  }
0x28: {  	s2 =	sld [smem:$0x3FB1]  }
0x29: {  	s4 =	sld [smem:$0x3FB3]  }
0x2a: {  	p0 =	seq.s32 s5, $0x0;
	s5 =	sld [smem:$0x3FB4]  }
0x2b: {  	s6 =	sld [smem:$0x3FB5]  }
0x2c: {  	s7 =	sld [smem:$0x3FB6]  }
0x2d: {  	s3 =	simm.s32 $0x108;
	s8 =	sld [smem:$0x3FB7]  }
0x2e: {  	s3 =	simm.s32 @!p0 $0x1082;
	s9 =	sld [smem:$0x3FB8]  }
0x2f: {  	lr =	sadd.s32 s0, s3;
	s0 =	sld [smem:$0x3FAF]  }
0x30: {  	s3 =	sld [smem:$0x3FB2]  }
0x31: {  	[smem:$0x3FBB] =	sst s10  }
0x32: {  	s10 =	sld [smem:$0x3FB9];
	_ =	sdelay $0x3  }
0x33: {  	p0 =	seq.s32 s10, $0x1;
	s10 =	sld [smem:$0x3FBB];
	_ =	sdelay $0x3  }
0x34: {  	[smem:$0x3FBB] =	sst s10  }
0x35: {  	s10 =	sld [smem:$0x3FBA];
	_ =	sdelay $0x3  }
0x36: {  	p1 =	seq.s32 s10, $0x1;
	s10 =	sld [smem:$0x3FBB];
	_ =	sdelay $0x3  }
0x37: {  	[smem:$0x3FBB] =	sst s10  }
0x38: {  	s10 =	sld [smem:$0x3FBC]  }
0x39: {  	_ = 	snop;
	(pc) =	sbr.ind lr, $3  }
0x3a: {  	_ = 	snop  }
0x3b: {  	_ = 	snop  }
0x3c: {  	p2 =	seq.s32 s10, $0x1;
	s10 =	sld [smem:$0x3FBB]  }
0x3d: {  	_ =	shalt  }
0x3e: {  	_ =	shalt  }
0x3f: {  	_ =	shalt  }
0x40: {  	_ =	shalt  }
0x41: {  	_ =	shalt  }
0x42: {  	_ =	shalt  }
0x43: {  	_ =	shalt  }
0x44: {  	_ =	shalt  }
0x45: {  	_ =	shalt  }
0x46: {  	_ =	shalt  }
0x47: {  	_ =	shalt  }
0x48: {  	_ =	shalt  }
0x49: {  	_ =	shalt  }
0x4a: {  	_ =	shalt  }
0x4b: {  	_ =	shalt  }
0x4c: {  	_ =	shalt  }
0x4d: {  	_ =	shalt  }
0x4e: {  	_ =	shalt  }
0x4f: {  	_ =	shalt  }
0x50: {  	_ =	shalt  }
0x51: {  	_ =	shalt  }
0x52: {  	_ =	shalt  }
0x53: {  	_ =	shalt  }
0x54: {  	_ =	shalt  }
0x55: {  	_ =	shalt  }
0x56: {  	_ =	shalt  }
0x57: {  	_ =	shalt  }
0x58: {  	_ =	shalt  }
0x59: {  	_ =	shalt  }
0x5a: {  	_ =	shalt  }
0x5b: {  	_ =	shalt  }
0x5c: {  	_ =	shalt  }
0x5d: {  	_ =	shalt  }
0x5e: {  	_ =	shalt  }
0x5f: {  	_ =	shalt  }
0x60: {  	_ =	shalt  }
0x61: {  	_ =	shalt  }
0x62: {  	_ =	shalt  }
0x63: {  	_ =	shalt  }
0x64: {  	_ =	shalt  }
0x65: {  	_ =	shalt  }
0x66: {  	_ =	shalt  }
0x67: {  	_ =	shalt  }
0x68: {  	_ =	shalt  }
0x69: {  	_ =	shalt  }
0x6a: {  	_ =	shalt  }
0x6b: {  	_ =	shalt  }
0x6c: {  	_ =	shalt  }
0x6d: {  	_ =	shalt  }
0x6e: {  	_ =	shalt  }
0x6f: {  	_ =	shalt  }
0x70: {  	_ =	shalt  }
0x71: {  	_ =	shalt  }
0x72: {  	_ =	shalt  }
0x73: {  	_ =	shalt  }
0x74: {  	_ =	shalt  }
0x75: {  	_ =	shalt  }
0x76: {  	_ =	shalt  }
0x77: {  	_ =	shalt  }
0x78: {  	_ =	shalt  }
0x79: {  	_ =	shalt  }
0x7a: {  	_ =	shalt  }
0x7b: {  	_ =	shalt  }
0x7c: {  	_ =	shalt  }
0x7d: {  	_ =	shalt  }
0x7e: {  	_ =	shalt  }
0x7f: {  	_ =	shalt  }
0x80: {  	_ =	shalt  }
0x81: {  	_ =	shalt  }
0x82: {  	_ =	shalt  }
0x83: {  	_ =	shalt  }
0x84: {  	_ =	shalt  }
0x85: {  	_ =	shalt  }
0x86: {  	_ =	shalt  }
0x87: {  	_ =	shalt  }
.Lfunc_end0:
.L_simem_size_0:
called_computation_lowered:
.L_overlay_start_0:
0x88: {  	s2 =	sld [smem:$0x3FD9]  }
0x89: {  	s3 =	sld [smem:$0x3FFE];
	_ =	sdelay $0x1  }
0x8a: {  	s1 =	srdreg.scid  }
0x8b: {  	s0 =	sand.u32 $0x1, s1  }
0x8c: {  	s15 =	sshll.u32 s0, $0xA;
	s2 =	sadd.s32 s3, s2  }
0x8d: {  	s2 =	sadd.s32 s2, s15  }
0x8e: {  	[smem:$0x3FC7] =	sst s2  }
0x8f: {  	_ = 	snop  }
0x90: {  	s2 =	sld [smem:$0x3FD0];
	_ =	sdelay $0x2  }
0x91: {  	s16 =	simm.s32 $0xA;
	s4 =	simm.s32 $0x10  }
0x92: {  	[smem:s4], [sflag:s16] =	dma.local [hbm:s2], $0x1  }
0x93: {  	_ =	swait.eq [sflag:s16], $0x1  }
0x94: {  	s17 =	sld [smem:$0x11];
	[sflag:s16] =	ssyncset.done $0x0  }
0x95: {  	s18 =	sld [smem:$0x12];
	[sflag:s16] =	ssyncadd.s32 $0xFFFFFFFF  }
0x96: {  	s19 =	sld [smem:$0x13];
	(tm) =	ssettm $0x1  }
0x97: {  	s5 =	sld [smem:$0x3FFB];
	_ =	sdelay $0x3  }
0x98: {  	_ =	strace s5  }
0x99: {  	s5 =	sld [smem:$0x3FFC];
	_ =	sdelay $0x3  }
0x9a: {  	_ =	strace s5  }
0x9b: {  	s5 =	sld [smem:$0x3FFD];
	_ =	sdelay $0x3  }
0x9c: {  	_ =	strace s5  }
0x9d: {  	_ =	strace $0x8FFFFFFF  }
0x9e: {  	s20 =	sld [smem:$0x3FDB];
	_ =	sdelay $0x1  }
0x9f: {  	s6 =	simm.s32 $_scs_section_size  }
0xa0: {  	s7 =	simm.s32 $_size__tile_overlayer_lowered;
	s8 =	simm.s32 $_tile_overlayer_lowered  }
0xa1: {  	s23 =	simm.s32 $0x1BFF;
	s22 =	sshll.u32 s8, $0x1;
	s5 =	sadd.s32 s6, s20  }
0xa2: {  	s9 =	simm.s32 $0x0;
	s21 =	sshll.u32 s7, $0x1;
	s7 =	sadd.s32 s22, s5  }
0xa3: {  	[timem:s9], [sflag:s23] =	dma.local [hbm:s7], s21  }
0xa4: {  	_ =	swait.ge [sflag:s23], s21  }
0xa5: {  	s6 =	ssub.s32 $0x0, s21;
	[sflag:s23] =	ssyncset.done $0x0  }
0xa6: {  	[sflag:s23] =	ssyncadd.s32 s6;
	_ =	sdelay $0x1  }
0xa7: {  	s24 =	simm.s32 $0x1B8B  }
0xa8: {  	_ =	swait.ge [sflag:s24], $0x1  }
0xa9: {  	[sflag:s24] =	ssyncset.done $0x0  }
0xaa: {  	s25 =	simm.s32 $0x1B8E;
	[sflag:s24] =	ssyncadd.s32 $0xFFFFFFFF  }
0xab: {  	s26 =	simm.s32 $execute0_lowered;
	[smem:$0x3FD2] =	sst s25  }
0xac: {  	s6 =	sshll.u32 s26, $0x1;
	_ =	strace $0x80000046;
	[dreg:$0x1] =	wrdreg $0xFFFFFFFF  }
0xad: {  	s28 =	simm.s32 $_size_execute0_lowered;
	s5 =	sadd.s32 s5, s6;
	[dreg:$0x0] =	wrdreg $0x0  }
0xae: {  	s6 =	sshll.u32 s28, $0x1;
	[dreg:$0x2] =	wrdreg s5  }
0xaf: {  	[dreg:$0x3] =	wrdreg s6  }
0xb0: {  	[dreg:$0x4] =	wrdreg $0xC0  }
0xb1: {  	_ =	task [dreg:s9], $0x5FFFF  }
0xb2: {  	[dreg:$0x1] =	wrdreg $0xFFFFFFFF  }
0xb3: {  	[dreg:$0x0] =	wrdreg $0x60  }
0xb4: {  	[dreg:$0x2] =	wrdreg s17  }
0xb5: {  	[dreg:$0x3] =	wrdreg s18  }
0xb6: {  	[dreg:$0x4] =	wrdreg s19  }
0xb7: {  	[dreg:$0x5] =	wrdreg $0x9  }
0xb8: {  	_ =	task.clear_ibuf [dreg:s9], $0x6FFFF;
	_ =	strace $0x90000046  }
0xb9: {  	s29 =	simm.s32 $0x9;
	_ =	strace $0x80000048  }
0xba: {  	_ =	swait.ge [sflag:s29], $0x1  }
0xbb: {  	[sflag:s29] =	ssyncadd.s32 $0xFFFFFFFF  }
0xbc: {  	_ =	strace $0x90000048  }
0xbd: {  	_ =	sfence  }
0xbe: {  	s30 =	sld [smem:$0x0];
	_ =	sdelay $0x2  }
0xbf: {  	s31 =	sshll.u32 s1, $0xD;
	s1 =	sshrl.u32 s1, $0x2  }
0xc0: {  	s3 =	sand.u32 $0x4000, s31;
	s1 =	sadd.s32 s1, s30  }
0xc1: {  	s0 =	sor.u32 s3, s0;
	s1 =	sshll.u32 s1, $0x11  }
0xc2: {  	s0 =	sor.u32 s1, s0  }
0xc3: {  	s0 =	sadd.s32 $0x8F2B, s0  }
0xc4: {  	[sflag:s0] =	ssyncadd.remote.s32 $0x1  }
0xc5: {  	_ =	sfence.sel $0xFFFF  }
0xc6: {  	[dreg:$0x0] =	wrdreg $0xFFFFFFFF;
	(pc) =	sbr.abs _section_cstart, $3  }
0xc7: {  	[dreg:$0x1] =	wrdreg $0xFFFFFFFF  }
0xc8: {  	_ =	task.clear_ibuf [dreg:s9], $0x2FFFF;
	_ =	strace $0x9FFFFFFF  }
0xc9: {  	(tm) =	ssettm $0x7FFFFFFF  }
tec
execute0_lowered:
.L_overlay_start_1:
0x0: {  	(tag) =	ssettag $0x1  }
0x1: {  	s3 =	rddreg [dreg:$0x0]  }
0x2: {  	s1 =	srdreg.scid;
	s4 =	rddreg [dreg:$0x1]  }
0x3: {  	s0 =	stileid.u32;
	s5 =	rddreg [dreg:$0x2];
	s11 =	sand.u32 $0x1, s1  }
0x4: {  	s2 =	simm.s32 $0x0;
	s6 =	sshll.u32 s0, $0x9;
	s7 =	sshll.u32 s11, $0x8  }
0x5: {  	s8 =	simm.s32 $0x10000;
	s1 =	rddreg [dreg:$0x3];
	s6 =	sor.u32 s7, s6  }
0x6: {  	s10 =	simm.s32 $0x400;
	[smem:$0x7FF] =	sst s2;
	s7 =	sshrl.u32 s6, $0x2  }
0x7: {  	_ =	strace $0x80000047;
	s11 =	ssub.s32 $0x2, s11;
	s3 =	sadd.s32 s3, s7  }
0x8: {  	[hbm4b:s3+s2] =	stream.linear.scatter [tilespmem:s2], [sflag:$0x1], $0x200, $0x38;
	[tilespmem:$0x2400] =	vst v63  }
0x9: {  	s5 =	sadd.s32 s5, s6;
	s6 =	simm.s32 $0x200;
	s4 =	sadd.s32 s4, s7  }
0xa: {  	[hbm4b:s4+s2] =	stream.linear.scatter [tilespmem:s6], [sflag:$0x1], $0x200, $0x38;
	[tilespmem:$0x2400] =	vst v63  }
0xb: {  	s9 =	simm.s32 $0x1;
	s12 =	sshrl.u32 s11, $0x1;
	s7 =	simm.s32 $0x800  }
0xc: {  	[hbm4b:s5+s7] =	stream.strided.scatter [tilespmem:s10], [sflag:$0x1], $0x2000, s8, s7, $0x38;
	[tilespmem:$0x2400] =	vst v63  }
0xd: {  	s11 =	ssub.s32 s11, s12;
	_ =	swait.ge [sflag:s9], $0x200  }
0xe: {  	s11 =	smax.u32 s11, $0x1;
	[sflag:s9] =	ssyncset.done $0x0  }
0xf: {  	p0 =	sne.s32 s11, $0x1;
	[sflag:s9] =	ssyncadd.s32 $0xFFFFFE00  }
.Ltmp0:
0x10: {  	_ =	swait.ge [sflag:s9], $0x200;
	(pc) =	sbr.rel @!p0 .LBB2_2-.Ltmp0, $4  }
0x11: {  	[sflag:s9] =	ssyncset.done $0x0  }
0x12: {  	[sflag:s9] =	ssyncadd.s32 $0xFFFFFE00  }
0x13: {  	_ =	swait.ge [sflag:s9], $0x2000  }
0x14: {  	s11 =	sadd.s32 $0xFFFFFFFF, s11;
	[sflag:s9] =	ssyncset.done $0x0  }
.LBB2_1:
0x15: {  	p0 =	sne.s32 s11, $0x1;
	s11 =	sadd.s32 $0xFFFFFFFF, s11;
	[sflag:s9] =	ssyncadd.s32 $0xFFFFE000  }
0x16: {  	[hbm4b:s3+s2] =	stream.linear.scatter [tilespmem:s2], [sflag:$0x1], $0x200, $0x38;
	[tilespmem:$0x2400] =	vst v63  }
0x17: {  	_ = 	snop  }
0x18: {  	[hbm4b:s4+s2] =	stream.linear.scatter [tilespmem:s6], [sflag:$0x1], $0x200, $0x38;
	[tilespmem:$0x2400] =	vst v63  }
0x19: {  	_ = 	snop  }
0x1a: {  	[hbm4b:s5+s7] =	stream.strided.scatter [tilespmem:s10], [sflag:$0x1], $0x2000, s8, s7, $0x38;
	[tilespmem:$0x2400] =	vst v63  }
0x1b: {  	_ =	swait.ge [sflag:s9], $0x200  }
0x1c: {  	[sflag:s9] =	ssyncset.done $0x0  }
0x1d: {  	[sflag:s9] =	ssyncadd.s32 $0xFFFFFE00  }
.Ltmp1:
0x1e: {  	_ =	swait.ge [sflag:s9], $0x200;
	(pc) =	sbr.rel @p0 .LBB2_1-.Ltmp1, $4  }
0x1f: {  	[sflag:s9] =	ssyncset.done $0x0  }
0x20: {  	[sflag:s9] =	ssyncadd.s32 $0xFFFFFE00  }
0x21: {  	_ =	swait.ge [sflag:s9], $0x2000  }
0x22: {  	[sflag:s9] =	ssyncset.done $0x0  }
.LBB2_2:
0x23: {  	[sflag:s9] =	ssyncadd.s32 $0xFFFFE000  }
0x24: {  	_ =	sfence.sel $0x180000  }
0x25: {  	[bflag:$0x0] =	sbarrier.arrive $0xFFFF  }
0x26: {  	p0 =	sne.s32 s0, $0x0;
	_ =	strace $0x90000047  }
0x27: {  	s0 =	sadd.s32 @!p0 $0x100000, s1;
	[bflag:$0x2] =	sbarrier.arrive $0xFFFF  }
0x28: {  	[sflag:s0] =	ssyncadd.tile.s32 @!p0 $0x1;
	_ =	shalt  }
.Lfunc_end2:
_tile_overlayer_lowered:
.L_overlay_start_2:
0x29: {  	(tag) =	ssettag $0x2  }
0x2a: {  	s0 =	rddreg [dreg:$0x0];
	s2 =	stileid.u32  }
0x2b: {  	s1 =	rddreg [dreg:$0x1];
	p0 =	sne.s32 s2, $0x0  }
0x2c: {  	s3 =	rddreg [dreg:$0x2];
	[bflag:$0x3] =	sbarrier.arrive $0xFFFF;
	s2 =	simm.s32 @!p0 $0x1C02  }
0x2d: {  	[timem:s3], [sflag:s2] =	dma.local @!p0 [hbm:s0], s1  }
0x2e: {  	s0 =	simm.s32 @!p0 $0x2  }
0x2f: {  	_ =	swait.ge @!p0 [sflag:s0], s1  }
0x30: {  	s1 =	ssub.s32 @!p0 $0x0, s1;
	[sflag:s0] =	ssyncset.done @!p0 $0x0  }
0x31: {  	[sflag:s0] =	ssyncadd.s32 @!p0 s1  }
0x32: {  	[bflag:$0x3] =	sbarrier.arrive $0xFFFF  }
0x33: {  	_ =	shalt  }

</sc_bundles>
